<compile_context>
chip_gen: v7x
topology: tpu7x:2x2x1
jax: 0.10.2.dev20260603
libtpu: 0.0.44.dev20260713+nightly
codegen_flags: <defaults>
</compile_context>

<pallas_src>
import functools

import jax
import jax.numpy as jnp
from jax import lax
from jax.experimental import pallas as pl
from jax.experimental.pallas import tpu as pltpu
from jax.experimental.pallas import tpu_sc as plsc

_NC = 2
_NS = 16
_NW = _NC * _NS
_CT = 8
_NBUF = 2


def kernel(x, pos_table):
    T, B, D = x.shape
    t_per_w = T // _NW
    n_chunks = t_per_w // _CT
    mesh = plsc.VectorSubcoreMesh(core_axis_name="c", subcore_axis_name="s")

    @functools.partial(
        pl.kernel,
        mesh=mesh,
        out_type=jax.ShapeDtypeStruct((T, B, D), jnp.float32),
        scratch_types=(
            [pltpu.VMEM((_CT, B, D), jnp.float32)] * _NBUF
            + [pltpu.VMEM((_CT, D), jnp.float32)] * _NBUF
            + [pltpu.SemaphoreType.DMA] * (2 * _NBUF)
        ),
    )
    def sc_add(x_hbm, pos_hbm, out_hbm, *scratch):
        xvs = scratch[:_NBUF]
        pvs = scratch[_NBUF:2 * _NBUF]
        sis = scratch[2 * _NBUF:3 * _NBUF]
        sos = scratch[3 * _NBUF:4 * _NBUF]
        wid = lax.axis_index("s") * _NC + lax.axis_index("c")
        base = wid * t_per_w

        def start_in(ci, b):
            t0 = base + ci * _CT
            pltpu.async_copy(x_hbm.at[pl.ds(t0, _CT)], xvs[b], sis[b])
            pltpu.async_copy(pos_hbm.at[pl.ds(t0, _CT)], pvs[b], sis[b])

        def wait_in(b):
            pltpu.make_async_copy(x_hbm.at[pl.ds(base, _CT)], xvs[b], sis[b]).wait()
            pltpu.make_async_copy(pos_hbm.at[pl.ds(base, _CT)], pvs[b], sis[b]).wait()

        def start_out(ci, b):
            t0 = base + ci * _CT
            pltpu.async_copy(xvs[b], out_hbm.at[pl.ds(t0, _CT)], sos[b])

        def wait_out(b):
            pltpu.make_async_copy(xvs[b], out_hbm.at[pl.ds(base, _CT)], sos[b]).wait()

        def compute(b):
            xvb, pvb = xvs[b], pvs[b]

            @plsc.parallel_loop(0, _CT, 1)
            def _row(j):
                @plsc.parallel_loop(0, D, 16, unroll=8)
                def _lane(k0):
                    sl = pl.ds(k0, 16)
                    p = pvb[j, sl]
                    for bb in range(B):
                        plsc.addupdate(xvb.at[j, bb, sl], p)

        def emit_chunk(ci, b, last):
            nb = (b + 1) % _NBUF
            wait_in(b)

            @pl.when(ci >= _NBUF - 1)
            def _():
                wait_out(nb)

            if not last:
                @pl.when(ci + 1 < n_chunks)
                def _():
                    start_in(ci + 1, nb)

            compute(b)
            start_out(ci, b)

        start_in(0, 0)
        n_full = (n_chunks // _NBUF) * _NBUF

        def ring(g, carry):
            for b in range(_NBUF):
                emit_chunk(g * _NBUF + b, b, last=False)
            return carry

        lax.fori_loop(0, n_chunks // _NBUF, ring, 0)
        for ci in range(n_full, n_chunks):
            emit_chunk(ci, ci % _NBUF, last=(ci == n_chunks - 1))
        for ci in range(n_chunks - _NBUF + 1, n_chunks):
            wait_out(ci % _NBUF)

    return sc_add(x, pos_table)

# --- scband reference (transcript-rebuilt; emitter-appended) ---
"""Pipeline reference for scband-positional-embedding-12618613916098 (READ-ONLY COPY).

The authoritative reference and input builder live on the scoring server;
editing this copy changes nothing except your own understanding.
"""

import jax, jax.numpy as jnp
import numpy as np

MAX_LEN = 8192
D_MODEL = 1024
SEQ = 4096
BATCH = 4


def setup_inputs(seed: int = 0) -> dict:
    key = jax.random.key(seed)
    kx, kt = jax.random.split(key)
    x = jax.random.normal(kx, (SEQ, BATCH, D_MODEL), dtype=jnp.float32)
    # xavier_normal_ init for the lookup table: std = sqrt(2/(fan_in+fan_out))
    std = (2.0 / (MAX_LEN + D_MODEL)) ** 0.5
    pos_table = jax.random.normal(kt, (MAX_LEN, D_MODEL), dtype=jnp.float32) * std
    return {"x": x, "pos_table": pos_table}


def reference(x, pos_table):
    # positional_embedding.forward:
    #   pos_emb = embedding(pos_vector[:T].unsqueeze(1).repeat(1, B))
    #   (zeros_pad=False, scale=False -> plain table gather, no sqrt scaling)
    #   x += pos_emb
    T = x.shape[0]
    B = x.shape[1]
    pos_vector = jnp.arange(MAX_LEN, dtype=jnp.int64 if jax.config.jax_enable_x64 else jnp.int32)
    idx = jnp.repeat(pos_vector[:T][:, None], B, axis=1)  # [T, B]
    pos_emb = jnp.take(pos_table, idx, axis=0)  # [T, B, D]
    return x + pos_emb

if __name__ == "__main__":
    import jax
    _d = setup_inputs()
    print(jax.jit(kernel)(*tuple(_d.values())))

</pallas_src>

<mosaic_0001>
#map = affine_map<(d0, d1) -> (0, 0, 0)>
#map1 = affine_map<(d0, d1) -> (0, 0)>
module attributes {stable_mosaic.version = 14 : i64} {
  func.func @sc_add(%arg0: i32, %arg1: i32, %arg2: memref<4096x4x1024xf32, #tpu.memory_space<hbm>>, %arg3: memref<8192x1024xf32, #tpu.memory_space<hbm>>, %arg4: memref<4096x4x1024xf32, #tpu.memory_space<hbm>>, %arg5: memref<8x4x1024xf32, #tpu.memory_space<vmem>>, %arg6: memref<8x4x1024xf32, #tpu.memory_space<vmem>>, %arg7: memref<8x1024xf32, #tpu.memory_space<vmem>>, %arg8: memref<8x1024xf32, #tpu.memory_space<vmem>>, %arg9: memref<!tpu.dma_semaphore, #tpu.memory_space<semaphore_mem>>, %arg10: memref<!tpu.dma_semaphore, #tpu.memory_space<semaphore_mem>>, %arg11: memref<!tpu.dma_semaphore, #tpu.memory_space<semaphore_mem>>, %arg12: memref<!tpu.dma_semaphore, #tpu.memory_space<semaphore_mem>>) attributes {dimension_semantics = [#tpu.dimension_semantics<core_parallel>, #tpu.dimension_semantics<subcore_parallel>], iteration_bounds = array<i64: 2, 16>, scalar_prefetch = 0 : i64, scratch_operands = 8 : i64, tpu.core_type = #tpu.core_type<sc_vector_subcore>, window_params = [{transform_indices = #map}, {transform_indices = #map1}, {transform_indices = #map}]} {
    %mul3A = arith.constant 2 : i32
    %mul3A_0 = arith.muli %arg1, %mul3A : i32
    %add3A = arith.addi %mul3A_0, %arg0 : i32
    %mul3A_1 = arith.constant 128 : i32
    %mul3A_2 = arith.muli %add3A, %mul3A_1 : i32
    %add3A_3 = arith.constant 0 : i32
    %add3A_4 = arith.addi %mul3A_2, %add3A_3 : i32
    %dma_start3A = arith.constant 0 : i32
    %dma_start3A_5 = arith.constant 0 : i32
    %dma_start3A_6 = tpu.memref_slice %arg2[%add3A_4, %dma_start3A, %dma_start3A_5] : memref<4096x4x1024xf32, #tpu.memory_space<hbm>> -> memref<8x4x1024xf32, #tpu.memory_space<hbm>>
    %dma_start3A_7 = arith.constant 0 : i32
    %dma_start3A_8 = arith.constant 0 : i32
    %dma_start3A_9 = tpu.memref_slice %arg2[%add3A_4, %dma_start3A_7, %dma_start3A_8] : memref<4096x4x1024xf32, #tpu.memory_space<hbm>> -> memref<8x4x1024xf32, #tpu.memory_space<hbm>>
    tpu.enqueue_dma source(%dma_start3A_9 : memref<8x4x1024xf32, #tpu.memory_space<hbm>>) target(%arg5 : memref<8x4x1024xf32, #tpu.memory_space<vmem>>) target_semaphore(%arg9 : memref<!tpu.dma_semaphore, #tpu.memory_space<semaphore_mem>>)
    %dma_start3A_10 = arith.constant 0 : i32
    %dma_start3A_11 = tpu.memref_slice %arg3[%add3A_4, %dma_start3A_10] : memref<8192x1024xf32, #tpu.memory_space<hbm>> -> memref<8x1024xf32, #tpu.memory_space<hbm>>
    %dma_start3A_12 = arith.constant 0 : i32
    %dma_start3A_13 = tpu.memref_slice %arg3[%add3A_4, %dma_start3A_12] : memref<8192x1024xf32, #tpu.memory_space<hbm>> -> memref<8x1024xf32, #tpu.memory_space<hbm>>
    tpu.enqueue_dma source(%dma_start3A_13 : memref<8x1024xf32, #tpu.memory_space<hbm>>) target(%arg7 : memref<8x1024xf32, #tpu.memory_space<vmem>>) target_semaphore(%arg9 : memref<!tpu.dma_semaphore, #tpu.memory_space<semaphore_mem>>)
    %scan3A = arith.constant 0 : i32
    %scan3A_14 = arith.constant 0 : i32
    %scan3A_15 = arith.constant 8 : i32
    %scan3A_16 = arith.addi %scan3A_14, %scan3A_15 : i32
    %scan3A_17 = arith.constant 1 : i32
    scf.for %scan3A_24 = %scan3A_14 to %scan3A_16 step %scan3A_17  : i32 {
      %mul3A_25 = arith.constant 2 : i32
      %mul3A_26 = arith.muli %scan3A_24, %mul3A_25 : i32
      %add3A_27 = arith.constant 0 : i32
      %add3A_28 = arith.addi %mul3A_26, %add3A_27 : i32
      %dma_wait3A_29 = arith.constant 0 : i32
      %dma_wait3A_30 = arith.constant 0 : i32
      %dma_wait3A_31 = tpu.memref_slice %arg2[%mul3A_2, %dma_wait3A_29, %dma_wait3A_30] : memref<4096x4x1024xf32, #tpu.memory_space<hbm>> -> memref<8x4x1024xf32, #tpu.memory_space<hbm>>
      %dma_wait3A_32 = arith.constant 0 : i32
      %dma_wait3A_33 = arith.constant 0 : i32
      %dma_wait3A_34 = tpu.memref_slice %arg2[%mul3A_2, %dma_wait3A_32, %dma_wait3A_33] : memref<4096x4x1024xf32, #tpu.memory_space<hbm>> -> memref<8x4x1024xf32, #tpu.memory_space<hbm>>
      tpu.wait_dma2 semaphore(%arg9 : memref<!tpu.dma_semaphore, #tpu.memory_space<semaphore_mem>>) src(%dma_wait3A_34 : memref<8x4x1024xf32, #tpu.memory_space<hbm>>) dst(%arg5 : memref<8x4x1024xf32, #tpu.memory_space<vmem>>)
      %dma_wait3A_35 = arith.constant 0 : i32
      %dma_wait3A_36 = tpu.memref_slice %arg3[%mul3A_2, %dma_wait3A_35] : memref<8192x1024xf32, #tpu.memory_space<hbm>> -> memref<8x1024xf32, #tpu.memory_space<hbm>>
      %dma_wait3A_37 = arith.constant 0 : i32
      %dma_wait3A_38 = tpu.memref_slice %arg3[%mul3A_2, %dma_wait3A_37] : memref<8192x1024xf32, #tpu.memory_space<hbm>> -> memref<8x1024xf32, #tpu.memory_space<hbm>>
      tpu.wait_dma2 semaphore(%arg9 : memref<!tpu.dma_semaphore, #tpu.memory_space<semaphore_mem>>) src(%dma_wait3A_38 : memref<8x1024xf32, #tpu.memory_space<hbm>>) dst(%arg7 : memref<8x1024xf32, #tpu.memory_space<vmem>>)
      %ge3A = arith.constant 1 : i32
      %ge3A_39 = arith.cmpi sge, %add3A_28, %ge3A : i32
      %convert_element_type3A = arith.extui %ge3A_39 : i1 to i32
      %cond3A = arith.constant 0 : i32
      %cond3A_40 = arith.cmpi ne, %convert_element_type3A, %cond3A : i32
      scf.if %cond3A_40 {
        %dma_wait3A_96 = arith.constant 0 : i32
        %dma_wait3A_97 = arith.constant 0 : i32
        %dma_wait3A_98 = tpu.memref_slice %arg4[%mul3A_2, %dma_wait3A_96, %dma_wait3A_97] : memref<4096x4x1024xf32, #tpu.memory_space<hbm>> -> memref<8x4x1024xf32, #tpu.memory_space<hbm>>
        %dma_wait3A_99 = arith.constant 0 : i32
        %dma_wait3A_100 = arith.constant 0 : i32
        %dma_wait3A_101 = tpu.memref_slice %arg4[%mul3A_2, %dma_wait3A_99, %dma_wait3A_100] : memref<4096x4x1024xf32, #tpu.memory_space<hbm>> -> memref<8x4x1024xf32, #tpu.memory_space<hbm>>
        tpu.wait_dma2 semaphore(%arg12 : memref<!tpu.dma_semaphore, #tpu.memory_space<semaphore_mem>>) src(%arg6 : memref<8x4x1024xf32, #tpu.memory_space<vmem>>) dst(%dma_wait3A_101 : memref<8x4x1024xf32, #tpu.memory_space<hbm>>)
      } else {
      }
      %add3A_41 = arith.constant 1 : i32
      %add3A_42 = arith.addi %add3A_28, %add3A_41 : i32
      %lt3A = arith.constant 16 : i32
      %lt3A_43 = arith.cmpi slt, %add3A_42, %lt3A : i32
      %convert_element_type3A_44 = arith.extui %lt3A_43 : i1 to i32
      %cond3A_45 = arith.constant 0 : i32
      %cond3A_46 = arith.cmpi ne, %convert_element_type3A_44, %cond3A_45 : i32
      scf.if %cond3A_46 {
        %add3A_96 = arith.constant 1 : i32
        %add3A_97 = arith.addi %add3A_28, %add3A_96 : i32
        %mul3A_98 = arith.constant 8 : i32
        %mul3A_99 = arith.muli %add3A_97, %mul3A_98 : i32
        %add3A_100 = arith.addi %mul3A_2, %mul3A_99 : i32
        %dma_start3A_101 = arith.constant 0 : i32
        %dma_start3A_102 = arith.constant 0 : i32
        %dma_start3A_103 = tpu.memref_slice %arg2[%add3A_100, %dma_start3A_101, %dma_start3A_102] : memref<4096x4x1024xf32, #tpu.memory_space<hbm>> -> memref<8x4x1024xf32, #tpu.memory_space<hbm>>
        %dma_start3A_104 = arith.constant 0 : i32
        %dma_start3A_105 = arith.constant 0 : i32
        %dma_start3A_106 = tpu.memref_slice %arg2[%add3A_100, %dma_start3A_104, %dma_start3A_105] : memref<4096x4x1024xf32, #tpu.memory_space<hbm>> -> memref<8x4x1024xf32, #tpu.memory_space<hbm>>
        tpu.enqueue_dma source(%dma_start3A_106 : memref<8x4x1024xf32, #tpu.memory_space<hbm>>) target(%arg6 : memref<8x4x1024xf32, #tpu.memory_space<vmem>>) target_semaphore(%arg10 : memref<!tpu.dma_semaphore, #tpu.memory_space<semaphore_mem>>)
        %dma_start3A_107 = arith.constant 0 : i32
        %dma_start3A_108 = tpu.memref_slice %arg3[%add3A_100, %dma_start3A_107] : memref<8192x1024xf32, #tpu.memory_space<hbm>> -> memref<8x1024xf32, #tpu.memory_space<hbm>>
        %dma_start3A_109 = arith.constant 0 : i32
        %dma_start3A_110 = tpu.memref_slice %arg3[%add3A_100, %dma_start3A_109] : memref<8192x1024xf32, #tpu.memory_space<hbm>> -> memref<8x1024xf32, #tpu.memory_space<hbm>>
        tpu.enqueue_dma source(%dma_start3A_110 : memref<8x1024xf32, #tpu.memory_space<hbm>>) target(%arg8 : memref<8x1024xf32, #tpu.memory_space<vmem>>) target_semaphore(%arg10 : memref<!tpu.dma_semaphore, #tpu.memory_space<semaphore_mem>>)
      } else {
      }
      %parallel_loop3A = arith.constant 0 : i32
      %parallel_loop3A_47 = arith.constant 8 : i32
      %parallel_loop3A_48 = arith.constant 1 : i32
      scf.for %parallel_loop3A_96 = %parallel_loop3A to %parallel_loop3A_47 step %parallel_loop3A_48  : i32 {
        %parallel_loop3A_97 = arith.constant 0 : i32
        %parallel_loop3A_98 = arith.constant 1024 : i32
        %parallel_loop3A_99 = arith.constant 16 : i32
        scf.for %parallel_loop3A_100 = %parallel_loop3A_97 to %parallel_loop3A_98 step %parallel_loop3A_99  : i32 {
          %parallel_loop3A_101 = arith.index_cast %parallel_loop3A_96 : i32 to index
          %parallel_loop3A_102 = arith.index_cast %parallel_loop3A_100 : i32 to index
          %parallel_loop3A_103 = tpu.vector_load %arg7[%parallel_loop3A_101, %parallel_loop3A_102] {strides = array<i32>} : memref<8x1024xf32, #tpu.memory_space<vmem>>, vector<1x16xf32>,
          %parallel_loop3A_104 = vector.shape_cast %parallel_loop3A_103 : vector<1x16xf32> to vector<16xf32>
          %parallel_loop3A_105 = arith.constant 0 : i32
          %parallel_loop3A_106 = arith.index_cast %parallel_loop3A_96 : i32 to index
          %parallel_loop3A_107 = arith.index_cast %parallel_loop3A_105 : i32 to index
          %parallel_loop3A_108 = arith.index_cast %parallel_loop3A_100 : i32 to index
          %parallel_loop3A_109 = tpu.vector_load %arg5[%parallel_loop3A_106, %parallel_loop3A_107, %parallel_loop3A_108] {strides = array<i32>} : memref<8x4x1024xf32, #tpu.memory_space<vmem>>, vector<1x1x16xf32>,
          %parallel_loop3A_110 = vector.shape_cast %parallel_loop3A_109 : vector<1x1x16xf32> to vector<16xf32>
          %parallel_loop3A_111 = vector.shape_cast %parallel_loop3A_104 : vector<16xf32> to vector<1x1x16xf32>
          tpu.vector_store %arg5[%parallel_loop3A_106, %parallel_loop3A_107, %parallel_loop3A_108], %parallel_loop3A_111 {add = true, strides = array<i32>} : memref<8x4x1024xf32, #tpu.memory_space<vmem>>, vector<1x1x16xf32>,
          %parallel_loop3A_112 = arith.constant 1 : i32
          %parallel_loop3A_113 = arith.index_cast %parallel_loop3A_96 : i32 to index
          %parallel_loop3A_114 = arith.index_cast %parallel_loop3A_112 : i32 to index
          %parallel_loop3A_115 = arith.index_cast %parallel_loop3A_100 : i32 to index
          %parallel_loop3A_116 = tpu.vector_load %arg5[%parallel_loop3A_113, %parallel_loop3A_114, %parallel_loop3A_115] {strides = array<i32>} : memref<8x4x1024xf32, #tpu.memory_space<vmem>>, vector<1x1x16xf32>,
          %parallel_loop3A_117 = vector.shape_cast %parallel_loop3A_116 : vector<1x1x16xf32> to vector<16xf32>
          %parallel_loop3A_118 = vector.shape_cast %parallel_loop3A_104 : vector<16xf32> to vector<1x1x16xf32>
          tpu.vector_store %arg5[%parallel_loop3A_113, %parallel_loop3A_114, %parallel_loop3A_115], %parallel_loop3A_118 {add = true, strides = array<i32>} : memref<8x4x1024xf32, #tpu.memory_space<vmem>>, vector<1x1x16xf32>,
          %parallel_loop3A_119 = arith.constant 2 : i32
          %parallel_loop3A_120 = arith.index_cast %parallel_loop3A_96 : i32 to index
          %parallel_loop3A_121 = arith.index_cast %parallel_loop3A_119 : i32 to index
          %parallel_loop3A_122 = arith.index_cast %parallel_loop3A_100 : i32 to index
          %parallel_loop3A_123 = tpu.vector_load %arg5[%parallel_loop3A_120, %parallel_loop3A_121, %parallel_loop3A_122] {strides = array<i32>} : memref<8x4x1024xf32, #tpu.memory_space<vmem>>, vector<1x1x16xf32>,
          %parallel_loop3A_124 = vector.shape_cast %parallel_loop3A_123 : vector<1x1x16xf32> to vector<16xf32>
          %parallel_loop3A_125 = vector.shape_cast %parallel_loop3A_104 : vector<16xf32> to vector<1x1x16xf32>
          tpu.vector_store %arg5[%parallel_loop3A_120, %parallel_loop3A_121, %parallel_loop3A_122], %parallel_loop3A_125 {add = true, strides = array<i32>} : memref<8x4x1024xf32, #tpu.memory_space<vmem>>, vector<1x1x16xf32>,
          %parallel_loop3A_126 = arith.constant 3 : i32
          %parallel_loop3A_127 = arith.index_cast %parallel_loop3A_96 : i32 to index
          %parallel_loop3A_128 = arith.index_cast %parallel_loop3A_126 : i32 to index
          %parallel_loop3A_129 = arith.index_cast %parallel_loop3A_100 : i32 to index
          %parallel_loop3A_130 = tpu.vector_load %arg5[%parallel_loop3A_127, %parallel_loop3A_128, %parallel_loop3A_129] {strides = array<i32>} : memref<8x4x1024xf32, #tpu.memory_space<vmem>>, vector<1x1x16xf32>,
          %parallel_loop3A_131 = vector.shape_cast %parallel_loop3A_130 : vector<1x1x16xf32> to vector<16xf32>
          %parallel_loop3A_132 = vector.shape_cast %parallel_loop3A_104 : vector<16xf32> to vector<1x1x16xf32>
          tpu.vector_store %arg5[%parallel_loop3A_127, %parallel_loop3A_128, %parallel_loop3A_129], %parallel_loop3A_132 {add = true, strides = array<i32>} : memref<8x4x1024xf32, #tpu.memory_space<vmem>>, vector<1x1x16xf32>,
        } {sc.loop_unroll_factor = 8 : i64, sc.parallel_access}
      } {sc.loop_unroll_factor = 1 : i64, sc.parallel_access}
      %mul3A_49 = arith.constant 8 : i32
      %mul3A_50 = arith.muli %add3A_28, %mul3A_49 : i32
      %add3A_51 = arith.addi %mul3A_2, %mul3A_50 : i32
      %dma_start3A_52 = arith.constant 0 : i32
      %dma_start3A_53 = arith.constant 0 : i32
      %dma_start3A_54 = tpu.memref_slice %arg4[%add3A_51, %dma_start3A_52, %dma_start3A_53] : memref<4096x4x1024xf32, #tpu.memory_space<hbm>> -> memref<8x4x1024xf32, #tpu.memory_space<hbm>>
      %dma_start3A_55 = arith.constant 0 : i32
      %dma_start3A_56 = arith.constant 0 : i32
      %dma_start3A_57 = tpu.memref_slice %arg4[%add3A_51, %dma_start3A_55, %dma_start3A_56] : memref<4096x4x1024xf32, #tpu.memory_space<hbm>> -> memref<8x4x1024xf32, #tpu.memory_space<hbm>>
      tpu.enqueue_dma source(%arg5 : memref<8x4x1024xf32, #tpu.memory_space<vmem>>) target(%dma_start3A_57 : memref<8x4x1024xf32, #tpu.memory_space<hbm>>) target_semaphore(%arg11 : memref<!tpu.dma_semaphore, #tpu.memory_space<semaphore_mem>>)
      %mul3A_58 = arith.constant 2 : i32
      %mul3A_59 = arith.muli %scan3A_24, %mul3A_58 : i32
      %add3A_60 = arith.constant 1 : i32
      %add3A_61 = arith.addi %mul3A_59, %add3A_60 : i32
      %dma_wait3A_62 = arith.constant 0 : i32
      %dma_wait3A_63 = arith.constant 0 : i32
      %dma_wait3A_64 = tpu.memref_slice %arg2[%mul3A_2, %dma_wait3A_62, %dma_wait3A_63] : memref<4096x4x1024xf32, #tpu.memory_space<hbm>> -> memref<8x4x1024xf32, #tpu.memory_space<hbm>>
      %dma_wait3A_65 = arith.constant 0 : i32
      %dma_wait3A_66 = arith.constant 0 : i32
      %dma_wait3A_67 = tpu.memref_slice %arg2[%mul3A_2, %dma_wait3A_65, %dma_wait3A_66] : memref<4096x4x1024xf32, #tpu.memory_space<hbm>> -> memref<8x4x1024xf32, #tpu.memory_space<hbm>>
      tpu.wait_dma2 semaphore(%arg10 : memref<!tpu.dma_semaphore, #tpu.memory_space<semaphore_mem>>) src(%dma_wait3A_67 : memref<8x4x1024xf32, #tpu.memory_space<hbm>>) dst(%arg6 : memref<8x4x1024xf32, #tpu.memory_space<vmem>>)
      %dma_wait3A_68 = arith.constant 0 : i32
      %dma_wait3A_69 = tpu.memref_slice %arg3[%mul3A_2, %dma_wait3A_68] : memref<8192x1024xf32, #tpu.memory_space<hbm>> -> memref<8x1024xf32, #tpu.memory_space<hbm>>
      %dma_wait3A_70 = arith.constant 0 : i32
      %dma_wait3A_71 = tpu.memref_slice %arg3[%mul3A_2, %dma_wait3A_70] : memref<8192x1024xf32, #tpu.memory_space<hbm>> -> memref<8x1024xf32, #tpu.memory_space<hbm>>
      tpu.wait_dma2 semaphore(%arg10 : memref<!tpu.dma_semaphore, #tpu.memory_space<semaphore_mem>>) src(%dma_wait3A_71 : memref<8x1024xf32, #tpu.memory_space<hbm>>) dst(%arg8 : memref<8x1024xf32, #tpu.memory_space<vmem>>)
      %ge3A_72 = arith.constant 1 : i32
      %ge3A_73 = arith.cmpi sge, %add3A_61, %ge3A_72 : i32
      %convert_element_type3A_74 = arith.extui %ge3A_73 : i1 to i32
      %cond3A_75 = arith.constant 0 : i32
      %cond3A_76 = arith.cmpi ne, %convert_element_type3A_74, %cond3A_75 : i32
      scf.if %cond3A_76 {
        %dma_wait3A_96 = arith.constant 0 : i32
        %dma_wait3A_97 = arith.constant 0 : i32
        %dma_wait3A_98 = tpu.memref_slice %arg4[%mul3A_2, %dma_wait3A_96, %dma_wait3A_97] : memref<4096x4x1024xf32, #tpu.memory_space<hbm>> -> memref<8x4x1024xf32, #tpu.memory_space<hbm>>
        %dma_wait3A_99 = arith.constant 0 : i32
        %dma_wait3A_100 = arith.constant 0 : i32
        %dma_wait3A_101 = tpu.memref_slice %arg4[%mul3A_2, %dma_wait3A_99, %dma_wait3A_100] : memref<4096x4x1024xf32, #tpu.memory_space<hbm>> -> memref<8x4x1024xf32, #tpu.memory_space<hbm>>
        tpu.wait_dma2 semaphore(%arg11 : memref<!tpu.dma_semaphore, #tpu.memory_space<semaphore_mem>>) src(%arg5 : memref<8x4x1024xf32, #tpu.memory_space<vmem>>) dst(%dma_wait3A_101 : memref<8x4x1024xf32, #tpu.memory_space<hbm>>)
      } else {
      }
      %add3A_77 = arith.constant 1 : i32
      %add3A_78 = arith.addi %add3A_61, %add3A_77 : i32
      %lt3A_79 = arith.constant 16 : i32
      %lt3A_80 = arith.cmpi slt, %add3A_78, %lt3A_79 : i32
      %convert_element_type3A_81 = arith.extui %lt3A_80 : i1 to i32
      %cond3A_82 = arith.constant 0 : i32
      %cond3A_83 = arith.cmpi ne, %convert_element_type3A_81, %cond3A_82 : i32
      scf.if %cond3A_83 {
        %add3A_96 = arith.constant 1 : i32
        %add3A_97 = arith.addi %add3A_61, %add3A_96 : i32
        %mul3A_98 = arith.constant 8 : i32
        %mul3A_99 = arith.muli %add3A_97, %mul3A_98 : i32
        %add3A_100 = arith.addi %mul3A_2, %mul3A_99 : i32
        %dma_start3A_101 = arith.constant 0 : i32
        %dma_start3A_102 = arith.constant 0 : i32
        %dma_start3A_103 = tpu.memref_slice %arg2[%add3A_100, %dma_start3A_101, %dma_start3A_102] : memref<4096x4x1024xf32, #tpu.memory_space<hbm>> -> memref<8x4x1024xf32, #tpu.memory_space<hbm>>
        %dma_start3A_104 = arith.constant 0 : i32
        %dma_start3A_105 = arith.constant 0 : i32
        %dma_start3A_106 = tpu.memref_slice %arg2[%add3A_100, %dma_start3A_104, %dma_start3A_105] : memref<4096x4x1024xf32, #tpu.memory_space<hbm>> -> memref<8x4x1024xf32, #tpu.memory_space<hbm>>
        tpu.enqueue_dma source(%dma_start3A_106 : memref<8x4x1024xf32, #tpu.memory_space<hbm>>) target(%arg5 : memref<8x4x1024xf32, #tpu.memory_space<vmem>>) target_semaphore(%arg9 : memref<!tpu.dma_semaphore, #tpu.memory_space<semaphore_mem>>)
        %dma_start3A_107 = arith.constant 0 : i32
        %dma_start3A_108 = tpu.memref_slice %arg3[%add3A_100, %dma_start3A_107] : memref<8192x1024xf32, #tpu.memory_space<hbm>> -> memref<8x1024xf32, #tpu.memory_space<hbm>>
        %dma_start3A_109 = arith.constant 0 : i32
        %dma_start3A_110 = tpu.memref_slice %arg3[%add3A_100, %dma_start3A_109] : memref<8192x1024xf32, #tpu.memory_space<hbm>> -> memref<8x1024xf32, #tpu.memory_space<hbm>>
        tpu.enqueue_dma source(%dma_start3A_110 : memref<8x1024xf32, #tpu.memory_space<hbm>>) target(%arg7 : memref<8x1024xf32, #tpu.memory_space<vmem>>) target_semaphore(%arg9 : memref<!tpu.dma_semaphore, #tpu.memory_space<semaphore_mem>>)
      } else {
      }
      %parallel_loop3A_84 = arith.constant 0 : i32
      %parallel_loop3A_85 = arith.constant 8 : i32
      %parallel_loop3A_86 = arith.constant 1 : i32
      scf.for %parallel_loop3A_96 = %parallel_loop3A_84 to %parallel_loop3A_85 step %parallel_loop3A_86  : i32 {
        %parallel_loop3A_97 = arith.constant 0 : i32
        %parallel_loop3A_98 = arith.constant 1024 : i32
        %parallel_loop3A_99 = arith.constant 16 : i32
        scf.for %parallel_loop3A_100 = %parallel_loop3A_97 to %parallel_loop3A_98 step %parallel_loop3A_99  : i32 {
          %parallel_loop3A_101 = arith.index_cast %parallel_loop3A_96 : i32 to index
          %parallel_loop3A_102 = arith.index_cast %parallel_loop3A_100 : i32 to index
          %parallel_loop3A_103 = tpu.vector_load %arg8[%parallel_loop3A_101, %parallel_loop3A_102] {strides = array<i32>} : memref<8x1024xf32, #tpu.memory_space<vmem>>, vector<1x16xf32>,
          %parallel_loop3A_104 = vector.shape_cast %parallel_loop3A_103 : vector<1x16xf32> to vector<16xf32>
          %parallel_loop3A_105 = arith.constant 0 : i32
          %parallel_loop3A_106 = arith.index_cast %parallel_loop3A_96 : i32 to index
          %parallel_loop3A_107 = arith.index_cast %parallel_loop3A_105 : i32 to index
          %parallel_loop3A_108 = arith.index_cast %parallel_loop3A_100 : i32 to index
          %parallel_loop3A_109 = tpu.vector_load %arg6[%parallel_loop3A_106, %parallel_loop3A_107, %parallel_loop3A_108] {strides = array<i32>} : memref<8x4x1024xf32, #tpu.memory_space<vmem>>, vector<1x1x16xf32>,
          %parallel_loop3A_110 = vector.shape_cast %parallel_loop3A_109 : vector<1x1x16xf32> to vector<16xf32>
          %parallel_loop3A_111 = vector.shape_cast %parallel_loop3A_104 : vector<16xf32> to vector<1x1x16xf32>
          tpu.vector_store %arg6[%parallel_loop3A_106, %parallel_loop3A_107, %parallel_loop3A_108], %parallel_loop3A_111 {add = true, strides = array<i32>} : memref<8x4x1024xf32, #tpu.memory_space<vmem>>, vector<1x1x16xf32>,
          %parallel_loop3A_112 = arith.constant 1 : i32
          %parallel_loop3A_113 = arith.index_cast %parallel_loop3A_96 : i32 to index
          %parallel_loop3A_114 = arith.index_cast %parallel_loop3A_112 : i32 to index
          %parallel_loop3A_115 = arith.index_cast %parallel_loop3A_100 : i32 to index
          %parallel_loop3A_116 = tpu.vector_load %arg6[%parallel_loop3A_113, %parallel_loop3A_114, %parallel_loop3A_115] {strides = array<i32>} : memref<8x4x1024xf32, #tpu.memory_space<vmem>>, vector<1x1x16xf32>,
          %parallel_loop3A_117 = vector.shape_cast %parallel_loop3A_116 : vector<1x1x16xf32> to vector<16xf32>
          %parallel_loop3A_118 = vector.shape_cast %parallel_loop3A_104 : vector<16xf32> to vector<1x1x16xf32>
          tpu.vector_store %arg6[%parallel_loop3A_113, %parallel_loop3A_114, %parallel_loop3A_115], %parallel_loop3A_118 {add = true, strides = array<i32>} : memref<8x4x1024xf32, #tpu.memory_space<vmem>>, vector<1x1x16xf32>,
          %parallel_loop3A_119 = arith.constant 2 : i32
          %parallel_loop3A_120 = arith.index_cast %parallel_loop3A_96 : i32 to index
          %parallel_loop3A_121 = arith.index_cast %parallel_loop3A_119 : i32 to index
          %parallel_loop3A_122 = arith.index_cast %parallel_loop3A_100 : i32 to index
          %parallel_loop3A_123 = tpu.vector_load %arg6[%parallel_loop3A_120, %parallel_loop3A_121, %parallel_loop3A_122] {strides = array<i32>} : memref<8x4x1024xf32, #tpu.memory_space<vmem>>, vector<1x1x16xf32>,
          %parallel_loop3A_124 = vector.shape_cast %parallel_loop3A_123 : vector<1x1x16xf32> to vector<16xf32>
          %parallel_loop3A_125 = vector.shape_cast %parallel_loop3A_104 : vector<16xf32> to vector<1x1x16xf32>
          tpu.vector_store %arg6[%parallel_loop3A_120, %parallel_loop3A_121, %parallel_loop3A_122], %parallel_loop3A_125 {add = true, strides = array<i32>} : memref<8x4x1024xf32, #tpu.memory_space<vmem>>, vector<1x1x16xf32>,
          %parallel_loop3A_126 = arith.constant 3 : i32
          %parallel_loop3A_127 = arith.index_cast %parallel_loop3A_96 : i32 to index
          %parallel_loop3A_128 = arith.index_cast %parallel_loop3A_126 : i32 to index
          %parallel_loop3A_129 = arith.index_cast %parallel_loop3A_100 : i32 to index
          %parallel_loop3A_130 = tpu.vector_load %arg6[%parallel_loop3A_127, %parallel_loop3A_128, %parallel_loop3A_129] {strides = array<i32>} : memref<8x4x1024xf32, #tpu.memory_space<vmem>>, vector<1x1x16xf32>,
          %parallel_loop3A_131 = vector.shape_cast %parallel_loop3A_130 : vector<1x1x16xf32> to vector<16xf32>
          %parallel_loop3A_132 = vector.shape_cast %parallel_loop3A_104 : vector<16xf32> to vector<1x1x16xf32>
          tpu.vector_store %arg6[%parallel_loop3A_127, %parallel_loop3A_128, %parallel_loop3A_129], %parallel_loop3A_132 {add = true, strides = array<i32>} : memref<8x4x1024xf32, #tpu.memory_space<vmem>>, vector<1x1x16xf32>,
        } {sc.loop_unroll_factor = 8 : i64, sc.parallel_access}
      } {sc.loop_unroll_factor = 1 : i64, sc.parallel_access}
      %mul3A_87 = arith.constant 8 : i32
      %mul3A_88 = arith.muli %add3A_61, %mul3A_87 : i32
      %add3A_89 = arith.addi %mul3A_2, %mul3A_88 : i32
      %dma_start3A_90 = arith.constant 0 : i32
      %dma_start3A_91 = arith.constant 0 : i32
      %dma_start3A_92 = tpu.memref_slice %arg4[%add3A_89, %dma_start3A_90, %dma_start3A_91] : memref<4096x4x1024xf32, #tpu.memory_space<hbm>> -> memref<8x4x1024xf32, #tpu.memory_space<hbm>>
      %dma_start3A_93 = arith.constant 0 : i32
      %dma_start3A_94 = arith.constant 0 : i32
      %dma_start3A_95 = tpu.memref_slice %arg4[%add3A_89, %dma_start3A_93, %dma_start3A_94] : memref<4096x4x1024xf32, #tpu.memory_space<hbm>> -> memref<8x4x1024xf32, #tpu.memory_space<hbm>>
      tpu.enqueue_dma source(%arg6 : memref<8x4x1024xf32, #tpu.memory_space<vmem>>) target(%dma_start3A_95 : memref<8x4x1024xf32, #tpu.memory_space<hbm>>) target_semaphore(%arg12 : memref<!tpu.dma_semaphore, #tpu.memory_space<semaphore_mem>>)
    }
    %scan3A_18 = arith.constant 8 : i32
    %dma_wait3A = arith.constant 0 : i32
    %dma_wait3A_19 = arith.constant 0 : i32
    %dma_wait3A_20 = tpu.memref_slice %arg4[%mul3A_2, %dma_wait3A, %dma_wait3A_19] : memref<4096x4x1024xf32, #tpu.memory_space<hbm>> -> memref<8x4x1024xf32, #tpu.memory_space<hbm>>
    %dma_wait3A_21 = arith.constant 0 : i32
    %dma_wait3A_22 = arith.constant 0 : i32
    %dma_wait3A_23 = tpu.memref_slice %arg4[%mul3A_2, %dma_wait3A_21, %dma_wait3A_22] : memref<4096x4x1024xf32, #tpu.memory_space<hbm>> -> memref<8x4x1024xf32, #tpu.memory_space<hbm>>
    tpu.wait_dma2 semaphore(%arg12 : memref<!tpu.dma_semaphore, #tpu.memory_space<semaphore_mem>>) src(%arg6 : memref<8x4x1024xf32, #tpu.memory_space<vmem>>) dst(%dma_wait3A_23 : memref<8x4x1024xf32, #tpu.memory_space<hbm>>)
    return
  }
}

</mosaic_0001>

<sc_bundles>
// kernel: kernel.3.cloned.1.call-start
scs
__scs_entry_jumppad:
0x0: {  	(pc) =	sbr.rel $0x88, $3  }
0x1: {  	(tag) =	ssettag $0x0;
	lr =	simm.s32 $0x1  }
0x2: {  	[smem:$0x3F9F] =	sst lr;
	_ =	strace $0xD0000000  }
0x3: {  	_ = 	snop  }
0x4: {  	_ = 	snop  }
0x5: {  	_ = 	snop  }
0x6: {  	_ = 	snop  }
0x7: {  	_ = 	snop  }
__scs_overlays_trampoline_lowered:
0x8: {  	[smem:$0x3FAE] =	sst s0  }
0x9: {  	[smem:$0x3FAF] =	sst s1  }
0xa: {  	[smem:$0x3FB0] =	sst s2  }
0xb: {  	[smem:$0x3FB1] =	sst s3  }
0xc: {  	[smem:$0x3FB2] =	sst s4  }
0xd: {  	[smem:$0x3FB3] =	sst s5  }
0xe: {  	[smem:$0x3FB4] =	sst s6  }
0xf: {  	[smem:$0x3FB5] =	sst s7  }
0x10: {  	[smem:$0x3FB6] =	sst s8  }
0x11: {  	[smem:$0x3FB7] =	sst s9;
	s0 =	simm.s32 @!p0 $0x0  }
0x12: {  	s1 =	sld [smem:$0x3F9D];
	s0 =	simm.s32 @p0 $0x1  }
0x13: {  	[smem:$0x3FB8] =	sst s0;
	s0 =	simm.s32 @!p1 $0x0  }
0x14: {  	s2 =	sld [smem:$0x3F9C];
	s0 =	simm.s32 @p1 $0x1  }
0x15: {  	[smem:$0x3FB9] =	sst s0;
	s0 =	simm.s32 @!p2 $0x0  }
0x16: {  	s3 =	sld [smem:$0x3FDB];
	s0 =	simm.s32 @p2 $0x1  }
0x17: {  	s4 =	simm.s32 $0x1BF5;
	[smem:$0x3FBB] =	sst s0  }
0x18: {  	s0 =	sld [smem:$0x3F9E];
	_ =	swait.ge [sflag:s4], $0x0  }
0x19: {  	s7 =	sld [smem:$0x3F9F]  }
0x1a: {  	s8 =	sadd.s32 $0xFFFFE003, lr  }
0x1b: {  	s9 =	sadd.s32 $0xFFFFFEF7, lr;
	s5 =	simm.s32 $0xFFFFFFFF;
	p2 =	slt.u32 s8, $0xFFFFF086  }
0x1c: {  	p1 =	slt.u32 s9, $0xF7A;
	s5 =	simm.s32 @!p2 $0x0  }
0x1d: {  	s5 =	simm.s32 @p1 $0x1;
	p0 =	seq.s32 s7, s2  }
0x1e: {  	s7 =	smul.u32 @!p0 $0xF7A, s2;
	p2 =	seq.s32 @!p0 s5, $0x0  }
0x1f: {  	s9 =	smul.u32 $0xF7A, s1;
	s8 =	simm.s32 @!p0 $0x1BF5;
	p2 =	por !p2, p0  }
0x20: {  	[sflag:s8] =	ssyncset.s32 @!p0 $0xFFFFF086;
	s6 =	sadd.s32 @!p0 s3, s7;
	s7 =	simm.s32 @!p0 $0x108  }
0x21: {  	s3 =	sadd.s32 s3, s9;
	s6 =	sadd.s32 @!p0 $0x88, s6;
	s7 =	simm.s32 @p2 $0x1082  }
0x22: {  	[simem:s7], [sflag:s8] =	dma.local @!p0 [hbm:s6], $0xF7A  }
0x23: {  	s9 =	sor.u32 $0xD0000000, s2;
	s6 =	simm.s32 $0x108;
	_ =	swait.ge @!p0 [sflag:s8], $0x0  }
0x24: {  	s3 =	sadd.s32 $0x88, s3;
	s6 =	simm.s32 @!p1 $0x1082;
	[sflag:s4] =	ssyncset.s32 $0xFFFFF086  }
0x25: {  	[simem:s6], [sflag:s4] =	dma.local [hbm:s3], $0xF7A  }
0x26: {  	[smem:$0x3F9F] =	sst s1;
	(tag) =	ssettag s2;
	_ =	strace s9  }
0x27: {  	s1 =	sld [smem:$0x3FAF]  }
0x28: {  	s2 =	sld [smem:$0x3FB0]  }
0x29: {  	s4 =	sld [smem:$0x3FB2]  }
0x2a: {  	p0 =	seq.s32 s5, $0x0;
	s5 =	sld [smem:$0x3FB3]  }
0x2b: {  	s6 =	sld [smem:$0x3FB4]  }
0x2c: {  	s7 =	sld [smem:$0x3FB5]  }
0x2d: {  	s3 =	simm.s32 $0x108;
	s8 =	sld [smem:$0x3FB6]  }
0x2e: {  	s3 =	simm.s32 @!p0 $0x1082;
	s9 =	sld [smem:$0x3FB7]  }
0x2f: {  	lr =	sadd.s32 s0, s3;
	s0 =	sld [smem:$0x3FAE]  }
0x30: {  	s3 =	sld [smem:$0x3FB1]  }
0x31: {  	[smem:$0x3FBA] =	sst s10  }
0x32: {  	s10 =	sld [smem:$0x3FB8];
	_ =	sdelay $0x3  }
0x33: {  	p0 =	seq.s32 s10, $0x1;
	s10 =	sld [smem:$0x3FBA];
	_ =	sdelay $0x3  }
0x34: {  	[smem:$0x3FBA] =	sst s10  }
0x35: {  	s10 =	sld [smem:$0x3FB9];
	_ =	sdelay $0x3  }
0x36: {  	p1 =	seq.s32 s10, $0x1;
	s10 =	sld [smem:$0x3FBA];
	_ =	sdelay $0x3  }
0x37: {  	[smem:$0x3FBA] =	sst s10  }
0x38: {  	s10 =	sld [smem:$0x3FBB]  }
0x39: {  	_ = 	snop;
	(pc) =	sbr.ind lr, $3  }
0x3a: {  	_ = 	snop  }
0x3b: {  	_ = 	snop  }
0x3c: {  	p2 =	seq.s32 s10, $0x1;
	s10 =	sld [smem:$0x3FBA]  }
0x3d: {  	_ =	shalt  }
0x3e: {  	_ =	shalt  }
0x3f: {  	_ =	shalt  }
0x40: {  	_ =	shalt  }
0x41: {  	_ =	shalt  }
0x42: {  	_ =	shalt  }
0x43: {  	_ =	shalt  }
0x44: {  	_ =	shalt  }
0x45: {  	_ =	shalt  }
0x46: {  	_ =	shalt  }
0x47: {  	_ =	shalt  }
0x48: {  	_ =	shalt  }
0x49: {  	_ =	shalt  }
0x4a: {  	_ =	shalt  }
0x4b: {  	_ =	shalt  }
0x4c: {  	_ =	shalt  }
0x4d: {  	_ =	shalt  }
0x4e: {  	_ =	shalt  }
0x4f: {  	_ =	shalt  }
0x50: {  	_ =	shalt  }
0x51: {  	_ =	shalt  }
0x52: {  	_ =	shalt  }
0x53: {  	_ =	shalt  }
0x54: {  	_ =	shalt  }
0x55: {  	_ =	shalt  }
0x56: {  	_ =	shalt  }
0x57: {  	_ =	shalt  }
0x58: {  	_ =	shalt  }
0x59: {  	_ =	shalt  }
0x5a: {  	_ =	shalt  }
0x5b: {  	_ =	shalt  }
0x5c: {  	_ =	shalt  }
0x5d: {  	_ =	shalt  }
0x5e: {  	_ =	shalt  }
0x5f: {  	_ =	shalt  }
0x60: {  	_ =	shalt  }
0x61: {  	_ =	shalt  }
0x62: {  	_ =	shalt  }
0x63: {  	_ =	shalt  }
0x64: {  	_ =	shalt  }
0x65: {  	_ =	shalt  }
0x66: {  	_ =	shalt  }
0x67: {  	_ =	shalt  }
0x68: {  	_ =	shalt  }
0x69: {  	_ =	shalt  }
0x6a: {  	_ =	shalt  }
0x6b: {  	_ =	shalt  }
0x6c: {  	_ =	shalt  }
0x6d: {  	_ =	shalt  }
0x6e: {  	_ =	shalt  }
0x6f: {  	_ =	shalt  }
0x70: {  	_ =	shalt  }
0x71: {  	_ =	shalt  }
0x72: {  	_ =	shalt  }
0x73: {  	_ =	shalt  }
0x74: {  	_ =	shalt  }
0x75: {  	_ =	shalt  }
0x76: {  	_ =	shalt  }
0x77: {  	_ =	shalt  }
0x78: {  	_ =	shalt  }
0x79: {  	_ =	shalt  }
0x7a: {  	_ =	shalt  }
0x7b: {  	_ =	shalt  }
0x7c: {  	_ =	shalt  }
0x7d: {  	_ =	shalt  }
0x7e: {  	_ =	shalt  }
0x7f: {  	_ =	shalt  }
0x80: {  	_ =	shalt  }
0x81: {  	_ =	shalt  }
0x82: {  	_ =	shalt  }
0x83: {  	_ =	shalt  }
0x84: {  	_ =	shalt  }
0x85: {  	_ =	shalt  }
0x86: {  	_ =	shalt  }
0x87: {  	_ =	shalt  }
.Lfunc_end0:
.L_simem_size_0:
called_computation_lowered:
.L_overlay_start_0:
0x88: {  	s2 =	sld [smem:$0x3FD9]  }
0x89: {  	s3 =	sld [smem:$0x3FFE];
	_ =	sdelay $0x1  }
0x8a: {  	s1 =	srdreg.scid  }
0x8b: {  	s0 =	sand.u32 $0x1, s1  }
0x8c: {  	s18 =	sshll.u32 s0, $0xA;
	s2 =	sadd.s32 s3, s2  }
0x8d: {  	s2 =	sadd.s32 s2, s18  }
0x8e: {  	[smem:$0x3FC6] =	sst s2  }
0x8f: {  	_ = 	snop  }
0x90: {  	s2 =	sld [smem:$0x3FC9]  }
0x91: {  	s19 =	sld [smem:$0x3FC8]  }
0x92: {  	s4 =	sld [smem:$0x3FD0];
	(tm) =	ssettm $0x1  }
0x93: {  	s5 =	sld [smem:$0x3FFB];
	_ =	sdelay $0x3  }
0x94: {  	_ =	strace s5  }
0x95: {  	s5 =	sld [smem:$0x3FFC];
	_ =	sdelay $0x3  }
0x96: {  	_ =	strace s5  }
0x97: {  	s5 =	sld [smem:$0x3FFD];
	_ =	sdelay $0x3  }
0x98: {  	_ =	strace s5  }
0x99: {  	_ =	strace $0x8FFFFFFF  }
0x9a: {  	s20 =	sld [smem:$0x3FDB];
	_ =	sdelay $0x1  }
0x9b: {  	s6 =	simm.s32 $_scs_section_size  }
0x9c: {  	s7 =	simm.s32 $_size__tile_overlayer_lowered;
	s8 =	simm.s32 $_tile_overlayer_lowered  }
0x9d: {  	s23 =	simm.s32 $0x1BFF;
	s22 =	sshll.u32 s8, $0x1;
	s5 =	sadd.s32 s6, s20  }
0x9e: {  	s9 =	simm.s32 $0x0;
	s21 =	sshll.u32 s7, $0x1;
	s7 =	sadd.s32 s22, s5  }
0x9f: {  	[timem:s9], [sflag:s23] =	dma.local [hbm:s7], s21  }
0xa0: {  	_ =	swait.ge [sflag:s23], s21  }
0xa1: {  	s6 =	ssub.s32 $0x0, s21;
	[sflag:s23] =	ssyncset.done $0x0  }
0xa2: {  	[sflag:s23] =	ssyncadd.s32 s6;
	_ =	sdelay $0x1  }
0xa3: {  	s24 =	simm.s32 $0x1B8B  }
0xa4: {  	_ =	swait.ge [sflag:s24], $0x1  }
0xa5: {  	[sflag:s24] =	ssyncset.done $0x0  }
0xa6: {  	s25 =	simm.s32 $0x1B8E;
	[sflag:s24] =	ssyncadd.s32 $0xFFFFFFFF  }
0xa7: {  	s26 =	simm.s32 $execute0_lowered;
	[smem:$0x3FD2] =	sst s25  }
0xa8: {  	s6 =	sshll.u32 s26, $0x1;
	_ =	strace $0x80000046;
	[dreg:$0x1] =	wrdreg $0xFFFFFFFF  }
0xa9: {  	s28 =	simm.s32 $_size_execute0_lowered;
	s5 =	sadd.s32 s5, s6;
	[dreg:$0x0] =	wrdreg $0x0  }
0xaa: {  	s6 =	sshll.u32 s28, $0x1;
	[dreg:$0x2] =	wrdreg s5  }
0xab: {  	[dreg:$0x3] =	wrdreg s6  }
0xac: {  	[dreg:$0x4] =	wrdreg $0xC0  }
0xad: {  	_ =	task [dreg:s9], $0x5FFFF  }
0xae: {  	[dreg:$0x1] =	wrdreg $0xFFFFFFFF  }
0xaf: {  	[dreg:$0x0] =	wrdreg $0x60  }
0xb0: {  	[dreg:$0x2] =	wrdreg s2  }
0xb1: {  	[dreg:$0x3] =	wrdreg s19  }
0xb2: {  	[dreg:$0x4] =	wrdreg s4  }
0xb3: {  	[dreg:$0x5] =	wrdreg $0x9  }
0xb4: {  	_ =	task.clear_ibuf [dreg:s9], $0x6FFFF;
	_ =	strace $0x90000046  }
0xb5: {  	s29 =	simm.s32 $0x9;
	_ =	strace $0x80000048  }
0xb6: {  	_ =	swait.ge [sflag:s29], $0x1  }
0xb7: {  	[sflag:s29] =	ssyncadd.s32 $0xFFFFFFFF  }
0xb8: {  	_ =	strace $0x90000048  }
0xb9: {  	_ =	sfence  }
0xba: {  	s30 =	sld [smem:$0x0];
	_ =	sdelay $0x2  }
0xbb: {  	s31 =	sshll.u32 s1, $0xD;
	s1 =	sshrl.u32 s1, $0x2  }
0xbc: {  	s3 =	sand.u32 $0x4000, s31;
	s1 =	sadd.s32 s1, s30  }
0xbd: {  	s0 =	sor.u32 s3, s0;
	s1 =	sshll.u32 s1, $0x11  }
0xbe: {  	s0 =	sor.u32 s1, s0  }
0xbf: {  	s0 =	sadd.s32 $0x8F2B, s0  }
0xc0: {  	[sflag:s0] =	ssyncadd.remote.s32 $0x1  }
0xc1: {  	_ =	sfence.sel $0xFFFF  }
0xc2: {  	[dreg:$0x0] =	wrdreg $0xFFFFFFFF;
	(pc) =	sbr.abs _section_cstart, $3  }
0xc3: {  	[dreg:$0x1] =	wrdreg $0xFFFFFFFF  }
0xc4: {  	_ =	task.clear_ibuf [dreg:s9], $0x2FFFF;
	_ =	strace $0x9FFFFFFF  }
0xc5: {  	(tm) =	ssettm $0x7FFFFFFF  }
tec
execute0_lowered:
.L_overlay_start_1:
0x0: {  	(tag) =	ssettag $0x1  }
0x1: {  	s1 =	rddreg [dreg:$0x0]  }
0x2: {  	s3 =	rddreg [dreg:$0x1]  }
0x3: {  	s8 =	rddreg [dreg:$0x2];
	s4 =	srdreg.scid  }
0x4: {  	s0 =	rddreg [dreg:$0x3];
	s2 =	stileid.u32;
	s12 =	simm.s32 $0x1  }
0x5: {  	s13 =	simm.s32 $0x8000;
	s14 =	simm.s32 $0x12000;
	s15 =	simm.s32 $0x2  }
0x6: {  	s16 =	simm.s32 $0x3;
	s17 =	simm.s32 $0x4;
	s18 =	simm.s32 $0x0  }
0x7: {  	s5 =	sand.u32 $0x1, s4;
	s4 =	simm.s32 $0x0;
	s6 =	sshll.u32 s2, $0x8  }
0x8: {  	s7 =	sshll.u32 s5, $0x7;
	[smem:$0x7FF] =	sst s4;
	s9 =	ssub.s32 $0x2, s5  }
0x9: {  	s5 =	sor.u32 s7, s6;
	_ =	strace $0x80000047;
	s31 =	sshrl.u32 s9, $0x1  }
0xa: {  	s10 =	sshll.u32 s5, $0x9;
	s11 =	ssub.s32 s9, s31;
	s7 =	sshll.u32 s5, $0x7  }
0xb: {  	s9 =	sor.u32 $0x10, s5;
	s6 =	sadd.s32 s1, s10;
	s7 =	sadd.s32 s3, s7  }
0xc: {  	s8 =	sadd.s32 s8, s10;
	s10 =	smax.u32 s11, $0x1;
	s11 =	simm.s32 $0x10000  }
.LBB2_1:
0xd: {  	[tilespmem:s4], [sflag:$0x1] =	stream.linear.gather [hbm4b:s6+s4], $0x8000, $0x38;
	[tilespmem:$0x14000] =	vst v63  }
0xe: {  	s19 =	simm.s32 $0x0  }
0xf: {  	[tilespmem:s11], [sflag:$0x1] =	stream.linear.gather [hbm4b:s7+s4], $0x2000, $0x38;
	[tilespmem:$0x14000] =	vst v63  }
.LBB2_2:
0x10: {  	_ =	swait.ge [sflag:s12], $0x8000  }
0x11: {  	[sflag:s12] =	ssyncset.done $0x0  }
0x12: {  	s20 =	sshll.u32 s19, $0x1;
	[sflag:s12] =	ssyncadd.s32 $0xFFFF8000  }
0x13: {  	s20 =	sor.u32 $0x1, s20;
	_ =	swait.ge [sflag:s12], $0x2000  }
0x14: {  	p0 =	seq.s32 s19, $0x0;
	s21 =	sshll.u32 s20, $0x3;
	[sflag:s12] =	ssyncset.done $0x0  }
0x15: {  	s22 =	simm.s32 @!p0 $0x4;
	s23 =	sadd.s32 s5, s21;
	[sflag:s12] =	ssyncadd.s32 $0xFFFFE000  }
0x16: {  	s21 =	sshll.u32 s23, $0x9;
	_ =	swait.ge @!p0 [sflag:s22], $0x8000  }
0x17: {  	s31 =	sshll.u32 s23, $0x7;
	s21 =	sand.u32 $0x1FFFF000, s21;
	[sflag:s22] =	ssyncset.done @!p0 $0x0  }
0x18: {  	s30 =	sadd.s32 s1, s21;
	s21 =	simm.s32 $0x0;
	[sflag:s22] =	ssyncadd.s32 @!p0 $0xFFFF8000  }
0x19: {  	[tilespmem:s13], [sflag:$0x2] =	stream.linear.gather [hbm4b:s30+s21], $0x8000, $0x38;
	[tilespmem:$0x14000] =	vst v63  }
0x1a: {  	s22 =	sadd.s32 s3, s31  }
0x1b: {  	[tilespmem:s14], [sflag:$0x2] =	stream.linear.gather [hbm4b:s22+s21], $0x2000, $0x38;
	[tilespmem:$0x14000] =	vst v63  }
0x1c: {  	s23 =	simm.s32 $0x10040;
	s22 =	simm.s32 $0x1F0  }
.LBB2_3:
0x1d: {  	v0 =	vld [tilespmem:s23+$0x30]  }
0x1e: {  	v1 =	vld [tilespmem:s23+$0xFFFFFFD0]  }
0x1f: {  	v2 =	vld [tilespmem:s23+$0xFFFFFFE0]  }
0x20: {  	v3 =	vld [tilespmem:s23+$0xFFFFFFF0]  }
0x21: {  	v4 =	vld [tilespmem:s23+$0x0]  }
0x22: {  	v5 =	vld [tilespmem:s23+$0x10]  }
0x23: {  	v6 =	vld [tilespmem:s23+$0x20]  }
0x24: {  	v7 =	vld [tilespmem:s23+$0xFFFFFFC0]  }
0x25: {  	[tilespmem:s22+$0x0] =	vst.add.f32.msk $0xffff, v0  }
0x26: {  	[tilespmem:s22+$0xFFFFFE20] =	vst.add.f32.msk $0xffff, v1  }
0x27: {  	[tilespmem:s22+$0xFFFFFEA0] =	vst.add.f32.msk $0xffff, v1  }
0x28: {  	[tilespmem:s22+$0xFFFFFF20] =	vst.add.f32.msk $0xffff, v1  }
0x29: {  	[tilespmem:s22+$0xFFFFFFA0] =	vst.add.f32.msk $0xffff, v1  }
0x2a: {  	[tilespmem:s22+$0xFFFFFE10] =	vst.add.f32.msk $0xffff, v7  }
0x2b: {  	[tilespmem:s22+$0xFFFFFE90] =	vst.add.f32.msk $0xffff, v7  }
0x2c: {  	[tilespmem:s22+$0xFFFFFF10] =	vst.add.f32.msk $0xffff, v7  }
0x2d: {  	[tilespmem:s22+$0xFFFFFF90] =	vst.add.f32.msk $0xffff, v7  }
0x2e: {  	[tilespmem:s22+$0xFFFFFE30] =	vst.add.f32.msk $0xffff, v2  }
0x2f: {  	[tilespmem:s22+$0xFFFFFEB0] =	vst.add.f32.msk $0xffff, v2  }
0x30: {  	[tilespmem:s22+$0xFFFFFF30] =	vst.add.f32.msk $0xffff, v2  }
0x31: {  	[tilespmem:s22+$0xFFFFFFB0] =	vst.add.f32.msk $0xffff, v2  }
0x32: {  	[tilespmem:s22+$0xFFFFFE40] =	vst.add.f32.msk $0xffff, v3  }
0x33: {  	[tilespmem:s22+$0xFFFFFEC0] =	vst.add.f32.msk $0xffff, v3  }
0x34: {  	[tilespmem:s22+$0xFFFFFF40] =	vst.add.f32.msk $0xffff, v3  }
0x35: {  	[tilespmem:s22+$0xFFFFFFC0] =	vst.add.f32.msk $0xffff, v3  }
0x36: {  	[tilespmem:s22+$0xFFFFFE50] =	vst.add.f32.msk $0xffff, v4  }
0x37: {  	[tilespmem:s22+$0xFFFFFED0] =	vst.add.f32.msk $0xffff, v4  }
0x38: {  	[tilespmem:s22+$0xFFFFFF50] =	vst.add.f32.msk $0xffff, v4  }
0x39: {  	[tilespmem:s22+$0xFFFFFFD0] =	vst.add.f32.msk $0xffff, v4  }
0x3a: {  	[tilespmem:s22+$0xFFFFFE60] =	vst.add.f32.msk $0xffff, v5  }
0x3b: {  	[tilespmem:s22+$0xFFFFFEE0] =	vst.add.f32.msk $0xffff, v5  }
0x3c: {  	[tilespmem:s22+$0xFFFFFF60] =	vst.add.f32.msk $0xffff, v5  }
0x3d: {  	[tilespmem:s22+$0xFFFFFFE0] =	vst.add.f32.msk $0xffff, v5  }
0x3e: {  	[tilespmem:s22+$0xFFFFFE70] =	vst.add.f32.msk $0xffff, v6  }
0x3f: {  	[tilespmem:s22+$0xFFFFFEF0] =	vst.add.f32.msk $0xffff, v6  }
0x40: {  	[tilespmem:s22+$0xFFFFFF70] =	vst.add.f32.msk $0xffff, v6  }
0x41: {  	[tilespmem:s22+$0xFFFFFFF0] =	vst.add.f32.msk $0xffff, v6  }
0x42: {  	[tilespmem:s22+$0xFFFFFE80] =	vst.add.f32.msk $0xffff, v0  }
0x43: {  	[tilespmem:s22+$0xFFFFFF00] =	vst.add.f32.msk $0xffff, v0  }
0x44: {  	s24 =	simm.s32 $0x0;
	s25 =	sadd.s32 $0x400, s23;
	s26 =	smov.u32 s22;
	[tilespmem:s22+$0xFFFFFF80] =	vst.add.f32.msk $0xffff, v0  }
.LBB2_4:
0x45: {  	v0 =	vld [tilespmem:s25+$0x30];
	s24 =	sadd.s32 $0x80, s24  }
0x46: {  	v1 =	vld [tilespmem:s25+$0xFFFFFFD0];
	p0 =	slt.u32 s24, $0x380  }
0x47: {  	v2 =	vld [tilespmem:s25+$0xFFFFFFE0]  }
0x48: {  	v3 =	vld [tilespmem:s25+$0xFFFFFFF0]  }
0x49: {  	s26 =	sadd.s32 $0x200, s26;
	v4 =	vld [tilespmem:s25+$0x0]  }
0x4a: {  	[tilespmem:s26+$0x0] =	vst.add.f32.msk $0xffff, v0  }
0x4b: {  	v5 =	vld [tilespmem:s25+$0x10]  }
0x4c: {  	v6 =	vld [tilespmem:s25+$0x20]  }
0x4d: {  	v7 =	vld [tilespmem:s25+$0xFFFFFFC0]  }
0x4e: {  	[tilespmem:s26+$0xFFFFFE20] =	vst.add.f32.msk $0xffff, v1  }
0x4f: {  	[tilespmem:s26+$0xFFFFFEA0] =	vst.add.f32.msk $0xffff, v1  }
0x50: {  	[tilespmem:s26+$0xFFFFFF20] =	vst.add.f32.msk $0xffff, v1  }
0x51: {  	[tilespmem:s26+$0xFFFFFFA0] =	vst.add.f32.msk $0xffff, v1  }
0x52: {  	[tilespmem:s26+$0xFFFFFE10] =	vst.add.f32.msk $0xffff, v7  }
0x53: {  	[tilespmem:s26+$0xFFFFFE90] =	vst.add.f32.msk $0xffff, v7  }
0x54: {  	[tilespmem:s26+$0xFFFFFF10] =	vst.add.f32.msk $0xffff, v7  }
0x55: {  	[tilespmem:s26+$0xFFFFFF90] =	vst.add.f32.msk $0xffff, v7  }
0x56: {  	[tilespmem:s26+$0xFFFFFE30] =	vst.add.f32.msk $0xffff, v2  }
0x57: {  	[tilespmem:s26+$0xFFFFFEB0] =	vst.add.f32.msk $0xffff, v2  }
0x58: {  	[tilespmem:s26+$0xFFFFFF30] =	vst.add.f32.msk $0xffff, v2  }
0x59: {  	[tilespmem:s26+$0xFFFFFFB0] =	vst.add.f32.msk $0xffff, v2  }
0x5a: {  	[tilespmem:s26+$0xFFFFFE40] =	vst.add.f32.msk $0xffff, v3  }
0x5b: {  	[tilespmem:s26+$0xFFFFFEC0] =	vst.add.f32.msk $0xffff, v3  }
0x5c: {  	[tilespmem:s26+$0xFFFFFF40] =	vst.add.f32.msk $0xffff, v3  }
0x5d: {  	[tilespmem:s26+$0xFFFFFFC0] =	vst.add.f32.msk $0xffff, v3  }
0x5e: {  	[tilespmem:s26+$0xFFFFFE50] =	vst.add.f32.msk $0xffff, v4  }
0x5f: {  	[tilespmem:s26+$0xFFFFFED0] =	vst.add.f32.msk $0xffff, v4  }
0x60: {  	[tilespmem:s26+$0xFFFFFF50] =	vst.add.f32.msk $0xffff, v4  }
0x61: {  	[tilespmem:s26+$0xFFFFFFD0] =	vst.add.f32.msk $0xffff, v4  }
0x62: {  	[tilespmem:s26+$0xFFFFFE60] =	vst.add.f32.msk $0xffff, v5  }
0x63: {  	[tilespmem:s26+$0xFFFFFEE0] =	vst.add.f32.msk $0xffff, v5  }
0x64: {  	[tilespmem:s26+$0xFFFFFF60] =	vst.add.f32.msk $0xffff, v5  }
0x65: {  	[tilespmem:s26+$0xFFFFFFE0] =	vst.add.f32.msk $0xffff, v5  }
0x66: {  	[tilespmem:s26+$0xFFFFFE70] =	vst.add.f32.msk $0xffff, v6  }
0x67: {  	[tilespmem:s26+$0xFFFFFEF0] =	vst.add.f32.msk $0xffff, v6  }
.Ltmp0:
0x68: {  	[tilespmem:s26+$0xFFFFFF70] =	vst.add.f32.msk $0xffff, v6;
	(pc) =	sbr.rel @p0 .LBB2_4-.Ltmp0, $4  }
0x69: {  	[tilespmem:s26+$0xFFFFFFF0] =	vst.add.f32.msk $0xffff, v6  }
0x6a: {  	[tilespmem:s26+$0xFFFFFE80] =	vst.add.f32.msk $0xffff, v0  }
0x6b: {  	[tilespmem:s26+$0xFFFFFF00] =	vst.add.f32.msk $0xffff, v0  }
0x6c: {  	s25 =	sadd.s32 $0x400, s25;
	[tilespmem:s26+$0xFFFFFF80] =	vst.add.f32.msk $0xffff, v0  }
0x6d: {  	s21 =	sadd.s32 $0x1, s21  }
0x6e: {  	p0 =	sne.s32 s21, $0x8  }
.Ltmp1:
0x6f: {  	_ = 	snop;
	(pc) =	sbr.rel @p0 .LBB2_3-.Ltmp1, $2  }
0x70: {  	_ =	sdelay $0x2  }
0x71: {  	s22 =	sadd.s32 $0x1000, s22;
	s23 =	sadd.s32 $0x80, s23  }
0x72: {  	s21 =	sshll.u32 s19, $0xD  }
0x73: {  	s21 =	sadd.s32 s21, s8  }
0x74: {  	[hbm4b:s21+s4] =	stream.linear.scatter [tilespmem:s4], [sflag:$0x3], $0x8000, $0x38;
	[tilespmem:$0x14000] =	vst v63  }
0x75: {  	_ =	swait.ge [sflag:s15], $0x8000  }
0x76: {  	[sflag:s15] =	ssyncset.done $0x0  }
0x77: {  	[sflag:s15] =	ssyncadd.s32 $0xFFFF8000  }
0x78: {  	_ =	swait.ge [sflag:s15], $0x2000  }
0x79: {  	p0 =	seq.s32 s19, $0x7;
	[sflag:s15] =	ssyncset.done $0x0  }
0x7a: {  	s21 =	sshll.u32 @!p0 s19, $0x4;
	[sflag:s15] =	ssyncadd.s32 $0xFFFFE000  }
0x7b: {  	s21 =	sadd.s32 @!p0 s21, s9;
	_ =	swait.ge [sflag:s16], $0x8000  }
0x7c: {  	s23 =	simm.s32 @!p0 $0x0;
	s22 =	sshll.u32 @!p0 s21, $0x9;
	[sflag:s16] =	ssyncset.done $0x0  }
0x7d: {  	s21 =	sshll.u32 @!p0 s21, $0x7;
	s22 =	sadd.s32 @!p0 s1, s22;
	[sflag:s16] =	ssyncadd.s32 $0xFFFF8000  }
0x7e: {  	[tilespmem:s23], [sflag:$0x1] =	stream.linear.gather @!p0 [hbm4b:s22+s23], $0x8000, $0x38;
	[tilespmem:$0x14000] =	vst v63  }
0x7f: {  	s21 =	sadd.s32 @!p0 s3, s21;
	s22 =	simm.s32 @!p0 $0x10000  }
0x80: {  	[tilespmem:s22], [sflag:$0x1] =	stream.linear.gather @!p0 [hbm4b:s21+s23], $0x2000, $0x38;
	[tilespmem:$0x14000] =	vst v63  }
0x81: {  	s21 =	simm.s32 $0x0;
	s22 =	simm.s32 $0x81F0;
	s23 =	simm.s32 $0x12040  }
.LBB2_7:
0x82: {  	v0 =	vld [tilespmem:s23+$0x30]  }
0x83: {  	v1 =	vld [tilespmem:s23+$0xFFFFFFD0]  }
0x84: {  	v2 =	vld [tilespmem:s23+$0xFFFFFFE0]  }
0x85: {  	v3 =	vld [tilespmem:s23+$0xFFFFFFF0]  }
0x86: {  	v4 =	vld [tilespmem:s23+$0x0]  }
0x87: {  	v5 =	vld [tilespmem:s23+$0x10]  }
0x88: {  	v6 =	vld [tilespmem:s23+$0x20]  }
0x89: {  	v7 =	vld [tilespmem:s23+$0xFFFFFFC0]  }
0x8a: {  	[tilespmem:s22+$0x0] =	vst.add.f32.msk $0xffff, v0  }
0x8b: {  	[tilespmem:s22+$0xFFFFFE20] =	vst.add.f32.msk $0xffff, v1  }
0x8c: {  	[tilespmem:s22+$0xFFFFFEA0] =	vst.add.f32.msk $0xffff, v1  }
0x8d: {  	[tilespmem:s22+$0xFFFFFF20] =	vst.add.f32.msk $0xffff, v1  }
0x8e: {  	[tilespmem:s22+$0xFFFFFFA0] =	vst.add.f32.msk $0xffff, v1  }
0x8f: {  	[tilespmem:s22+$0xFFFFFE10] =	vst.add.f32.msk $0xffff, v7  }
0x90: {  	[tilespmem:s22+$0xFFFFFE90] =	vst.add.f32.msk $0xffff, v7  }
0x91: {  	[tilespmem:s22+$0xFFFFFF10] =	vst.add.f32.msk $0xffff, v7  }
0x92: {  	[tilespmem:s22+$0xFFFFFF90] =	vst.add.f32.msk $0xffff, v7  }
0x93: {  	[tilespmem:s22+$0xFFFFFE30] =	vst.add.f32.msk $0xffff, v2  }
0x94: {  	[tilespmem:s22+$0xFFFFFEB0] =	vst.add.f32.msk $0xffff, v2  }
0x95: {  	[tilespmem:s22+$0xFFFFFF30] =	vst.add.f32.msk $0xffff, v2  }
0x96: {  	[tilespmem:s22+$0xFFFFFFB0] =	vst.add.f32.msk $0xffff, v2  }
0x97: {  	[tilespmem:s22+$0xFFFFFE40] =	vst.add.f32.msk $0xffff, v3  }
0x98: {  	[tilespmem:s22+$0xFFFFFEC0] =	vst.add.f32.msk $0xffff, v3  }
0x99: {  	[tilespmem:s22+$0xFFFFFF40] =	vst.add.f32.msk $0xffff, v3  }
0x9a: {  	[tilespmem:s22+$0xFFFFFFC0] =	vst.add.f32.msk $0xffff, v3  }
0x9b: {  	[tilespmem:s22+$0xFFFFFE50] =	vst.add.f32.msk $0xffff, v4  }
0x9c: {  	[tilespmem:s22+$0xFFFFFED0] =	vst.add.f32.msk $0xffff, v4  }
0x9d: {  	[tilespmem:s22+$0xFFFFFF50] =	vst.add.f32.msk $0xffff, v4  }
0x9e: {  	[tilespmem:s22+$0xFFFFFFD0] =	vst.add.f32.msk $0xffff, v4  }
0x9f: {  	[tilespmem:s22+$0xFFFFFE60] =	vst.add.f32.msk $0xffff, v5  }
0xa0: {  	[tilespmem:s22+$0xFFFFFEE0] =	vst.add.f32.msk $0xffff, v5  }
0xa1: {  	[tilespmem:s22+$0xFFFFFF60] =	vst.add.f32.msk $0xffff, v5  }
0xa2: {  	[tilespmem:s22+$0xFFFFFFE0] =	vst.add.f32.msk $0xffff, v5  }
0xa3: {  	[tilespmem:s22+$0xFFFFFE70] =	vst.add.f32.msk $0xffff, v6  }
0xa4: {  	[tilespmem:s22+$0xFFFFFEF0] =	vst.add.f32.msk $0xffff, v6  }
0xa5: {  	[tilespmem:s22+$0xFFFFFF70] =	vst.add.f32.msk $0xffff, v6  }
0xa6: {  	[tilespmem:s22+$0xFFFFFFF0] =	vst.add.f32.msk $0xffff, v6  }
0xa7: {  	[tilespmem:s22+$0xFFFFFE80] =	vst.add.f32.msk $0xffff, v0  }
0xa8: {  	[tilespmem:s22+$0xFFFFFF00] =	vst.add.f32.msk $0xffff, v0  }
0xa9: {  	s24 =	simm.s32 $0x0;
	s25 =	sadd.s32 $0x400, s23;
	s26 =	smov.u32 s22;
	[tilespmem:s22+$0xFFFFFF80] =	vst.add.f32.msk $0xffff, v0  }
.LBB2_8:
0xaa: {  	v0 =	vld [tilespmem:s25+$0x30];
	s24 =	sadd.s32 $0x80, s24  }
0xab: {  	v1 =	vld [tilespmem:s25+$0xFFFFFFD0];
	p0 =	slt.u32 s24, $0x380  }
0xac: {  	v2 =	vld [tilespmem:s25+$0xFFFFFFE0]  }
0xad: {  	v3 =	vld [tilespmem:s25+$0xFFFFFFF0]  }
0xae: {  	s26 =	sadd.s32 $0x200, s26;
	v4 =	vld [tilespmem:s25+$0x0]  }
0xaf: {  	[tilespmem:s26+$0x0] =	vst.add.f32.msk $0xffff, v0  }
0xb0: {  	v5 =	vld [tilespmem:s25+$0x10]  }
0xb1: {  	v6 =	vld [tilespmem:s25+$0x20]  }
0xb2: {  	v7 =	vld [tilespmem:s25+$0xFFFFFFC0]  }
0xb3: {  	[tilespmem:s26+$0xFFFFFE20] =	vst.add.f32.msk $0xffff, v1  }
0xb4: {  	[tilespmem:s26+$0xFFFFFEA0] =	vst.add.f32.msk $0xffff, v1  }
0xb5: {  	[tilespmem:s26+$0xFFFFFF20] =	vst.add.f32.msk $0xffff, v1  }
0xb6: {  	[tilespmem:s26+$0xFFFFFFA0] =	vst.add.f32.msk $0xffff, v1  }
0xb7: {  	[tilespmem:s26+$0xFFFFFE10] =	vst.add.f32.msk $0xffff, v7  }
0xb8: {  	[tilespmem:s26+$0xFFFFFE90] =	vst.add.f32.msk $0xffff, v7  }
0xb9: {  	[tilespmem:s26+$0xFFFFFF10] =	vst.add.f32.msk $0xffff, v7  }
0xba: {  	[tilespmem:s26+$0xFFFFFF90] =	vst.add.f32.msk $0xffff, v7  }
0xbb: {  	[tilespmem:s26+$0xFFFFFE30] =	vst.add.f32.msk $0xffff, v2  }
0xbc: {  	[tilespmem:s26+$0xFFFFFEB0] =	vst.add.f32.msk $0xffff, v2  }
0xbd: {  	[tilespmem:s26+$0xFFFFFF30] =	vst.add.f32.msk $0xffff, v2  }
0xbe: {  	[tilespmem:s26+$0xFFFFFFB0] =	vst.add.f32.msk $0xffff, v2  }
0xbf: {  	[tilespmem:s26+$0xFFFFFE40] =	vst.add.f32.msk $0xffff, v3  }
0xc0: {  	[tilespmem:s26+$0xFFFFFEC0] =	vst.add.f32.msk $0xffff, v3  }
0xc1: {  	[tilespmem:s26+$0xFFFFFF40] =	vst.add.f32.msk $0xffff, v3  }
0xc2: {  	[tilespmem:s26+$0xFFFFFFC0] =	vst.add.f32.msk $0xffff, v3  }
0xc3: {  	[tilespmem:s26+$0xFFFFFE50] =	vst.add.f32.msk $0xffff, v4  }
0xc4: {  	[tilespmem:s26+$0xFFFFFED0] =	vst.add.f32.msk $0xffff, v4  }
0xc5: {  	[tilespmem:s26+$0xFFFFFF50] =	vst.add.f32.msk $0xffff, v4  }
0xc6: {  	[tilespmem:s26+$0xFFFFFFD0] =	vst.add.f32.msk $0xffff, v4  }
0xc7: {  	[tilespmem:s26+$0xFFFFFE60] =	vst.add.f32.msk $0xffff, v5  }
0xc8: {  	[tilespmem:s26+$0xFFFFFEE0] =	vst.add.f32.msk $0xffff, v5  }
0xc9: {  	[tilespmem:s26+$0xFFFFFF60] =	vst.add.f32.msk $0xffff, v5  }
0xca: {  	[tilespmem:s26+$0xFFFFFFE0] =	vst.add.f32.msk $0xffff, v5  }
0xcb: {  	[tilespmem:s26+$0xFFFFFE70] =	vst.add.f32.msk $0xffff, v6  }
0xcc: {  	[tilespmem:s26+$0xFFFFFEF0] =	vst.add.f32.msk $0xffff, v6  }
.Ltmp2:
0xcd: {  	[tilespmem:s26+$0xFFFFFF70] =	vst.add.f32.msk $0xffff, v6;
	(pc) =	sbr.rel @p0 .LBB2_8-.Ltmp2, $4  }
0xce: {  	[tilespmem:s26+$0xFFFFFFF0] =	vst.add.f32.msk $0xffff, v6  }
0xcf: {  	[tilespmem:s26+$0xFFFFFE80] =	vst.add.f32.msk $0xffff, v0  }
0xd0: {  	[tilespmem:s26+$0xFFFFFF00] =	vst.add.f32.msk $0xffff, v0  }
0xd1: {  	s25 =	sadd.s32 $0x400, s25;
	[tilespmem:s26+$0xFFFFFF80] =	vst.add.f32.msk $0xffff, v0  }
0xd2: {  	s21 =	sadd.s32 $0x1, s21  }
0xd3: {  	p0 =	sne.s32 s21, $0x8  }
.Ltmp3:
0xd4: {  	_ = 	snop;
	(pc) =	sbr.rel @p0 .LBB2_7-.Ltmp3, $2  }
0xd5: {  	_ =	sdelay $0x2  }
0xd6: {  	s22 =	sadd.s32 $0x1000, s22;
	s23 =	sadd.s32 $0x80, s23  }
0xd7: {  	s19 =	sadd.s32 $0x1, s19  }
0xd8: {  	p0 =	sne.s32 s19, $0x8  }
.Ltmp4:
0xd9: {  	_ = 	snop;
	(pc) =	sbr.rel @p0 .LBB2_2-.Ltmp4, $4  }
0xda: {  	_ = 	snop  }
0xdb: {  	s20 =	sshll.u32 s20, $0xC  }
0xdc: {  	s20 =	sadd.s32 s20, s8  }
0xdd: {  	[hbm4b:s20+s4] =	stream.linear.scatter [tilespmem:s13], [sflag:$0x4], $0x8000, $0x38;
	[tilespmem:$0x14000] =	vst v63  }
0xde: {  	s18 =	sadd.s32 $0x1, s18  }
0xdf: {  	p0 =	sne.s32 s18, s10  }
.Ltmp5:
0xe0: {  	_ = 	snop;
	(pc) =	sbr.rel @p0 .LBB2_1-.Ltmp5, $4  }
0xe1: {  	_ = 	snop  }
0xe2: {  	_ =	swait.ge [sflag:s17], $0x8000  }
0xe3: {  	[sflag:s17] =	ssyncset.done $0x0  }
0xe4: {  	[sflag:s17] =	ssyncadd.s32 $0xFFFF8000  }
0xe5: {  	_ =	sfence.sel $0x180000  }
0xe6: {  	[bflag:$0x0] =	sbarrier.arrive $0xFFFF  }
0xe7: {  	p0 =	sne.s32 s2, $0x0;
	_ =	strace $0x90000047  }
0xe8: {  	s0 =	sadd.s32 @!p0 $0x100000, s0;
	[bflag:$0x2] =	sbarrier.arrive $0xFFFF  }
0xe9: {  	[sflag:s0] =	ssyncadd.tile.s32 @!p0 $0x1;
	_ =	shalt  }
.Lfunc_end2:
_tile_overlayer_lowered:
.L_overlay_start_2:
0xea: {  	(tag) =	ssettag $0x2  }
0xeb: {  	s0 =	rddreg [dreg:$0x0];
	s2 =	stileid.u32  }
0xec: {  	s1 =	rddreg [dreg:$0x1];
	p0 =	sne.s32 s2, $0x0  }
0xed: {  	s3 =	rddreg [dreg:$0x2];
	[bflag:$0x3] =	sbarrier.arrive $0xFFFF;
	s2 =	simm.s32 @!p0 $0x1C05  }
0xee: {  	[timem:s3], [sflag:s2] =	dma.local @!p0 [hbm:s0], s1  }
0xef: {  	s0 =	simm.s32 @!p0 $0x5  }
0xf0: {  	_ =	swait.ge @!p0 [sflag:s0], s1  }
0xf1: {  	s1 =	ssub.s32 @!p0 $0x0, s1;
	[sflag:s0] =	ssyncset.done @!p0 $0x0  }
0xf2: {  	[sflag:s0] =	ssyncadd.s32 @!p0 s1  }
0xf3: {  	[bflag:$0x3] =	sbarrier.arrive $0xFFFF  }
0xf4: {  	_ =	shalt  }

</sc_bundles>
